<compile_context>
chip_gen: v7x
topology: tpu7x:2x2x1
jax: 0.10.2.dev20260603
libtpu: 0.0.44.dev20260713+nightly
codegen_flags: <defaults>
</compile_context>

<pallas_src>
import functools

import jax
import jax.numpy as jnp
from jax import lax
from jax.experimental import pallas as pl
from jax.experimental.pallas import tpu as pltpu
from jax.experimental.pallas import tpu_sc as plsc

_B = 16384
_DIM = 16
_VOCAB1 = 1001
_NC = 2
_NS = 16
_NW = _NC * _NS
_BPW = _B // _NW
_INV = 1.0 / (1.0 + 1e-6)
_BLK = 8192
_NB = _B // _BLK


def _sc_body(t_hbm, uid_hbm, embt_hbm, uid_v, t_v, embt_v):
    wid = lax.axis_index("s") * _NC + lax.axis_index("c")
    base = wid * _BPW

    pltpu.sync_copy(uid_hbm.at[pl.ds(base, _BPW)], uid_v)
    pltpu.sync_copy(t_hbm, t_v)

    def body(blk, carry):
        b16 = blk * 16
        src = uid_v[pl.ds(b16, 16)] * 16
        for f in range(16):
            embt_v[f, pl.ds(b16, 16)] = plsc.load_gather(t_v, [src + f])
        return carry

    lax.fori_loop(0, _BPW // 16, body, 0)

    pltpu.sync_copy(embt_v, embt_hbm.at[:, pl.ds(base, _BPW)])


@functools.cache
def _sc_stage():
  return pl.kernel(
    _sc_body,
    mesh=plsc.VectorSubcoreMesh(core_axis_name="c", subcore_axis_name="s"),
    compiler_params=pltpu.CompilerParams(needs_layout_passes=False),
    out_type=jax.ShapeDtypeStruct((_DIM, _B), jnp.float32),
    scratch_types=[
        pltpu.VMEM((_BPW,), jnp.int32),
        pltpu.VMEM((_VOCAB1 * _DIM,), jnp.float32),
        pltpu.VMEM((_DIM, _BPW), jnp.float32),
    ],
  )


def _mlp_body(embt_ref, age_ref, sin_ref, cos_ref, vw_ref, ck_ref,
              g_ref, c_ref, w1_ref, b1_ref, w2_ref, b2_ref, out_ref):
    cdim = (((0,), (0,)), ((), ()))
    w1 = w1_ref[...]
    scal5 = jnp.concatenate(
        [age_ref[0], sin_ref[0], cos_ref[0], vw_ref[0], ck_ref[0]], axis=0)
    ghot = (lax.broadcasted_iota(jnp.int32, (3, _BLK), 0)
            == g_ref[0]).astype(jnp.float32)
    chot = (lax.broadcasted_iota(jnp.int32, (32, _BLK), 0)
            == c_ref[0]).astype(jnp.float32)
    pret = lax.dot_general(w1[0:16, :], embt_ref[...], cdim,
                           preferred_element_type=jnp.float32)
    pret = pret + lax.dot_general(w1[16:21, :] * jnp.float32(_INV), scal5,
                                  cdim, preferred_element_type=jnp.float32)
    pret = pret + lax.dot_general(w1[21:24, :], ghot, cdim,
                                  preferred_element_type=jnp.float32)
    pret = pret + lax.dot_general(w1[24:56, :], chot, cdim,
                                  preferred_element_type=jnp.float32)
    pret = pret + b1_ref[...]
    ht = jnp.maximum(pret, jnp.float32(0.0))
    outt = lax.dot_general(w2_ref[...], ht, cdim,
                           preferred_element_type=jnp.float32)
    out_ref[...] = (outt + b2_ref[...]).T


def _mlp(embt, age, sin_month, cos_month, view_count, click_count,
         gender, country, w1, b1, w2, b2):
    vec_spec = pl.BlockSpec((1, 1, _BLK), lambda i: (i, 0, 0))
    full = lambda shape: pl.BlockSpec(shape, lambda i: (0, 0))
    v3 = lambda x: x.reshape(_NB, 1, _BLK)
    return pl.pallas_call(
        _mlp_body,
        grid=(_NB,),
        in_specs=[
            pl.BlockSpec((_DIM, _BLK), lambda i: (0, i)),
            vec_spec, vec_spec, vec_spec, vec_spec, vec_spec,
            vec_spec, vec_spec,
            full((56, _DIM)), full((_DIM, 1)),
            full((_DIM, _DIM)), full((_DIM, 1)),
        ],
        out_specs=pl.BlockSpec((_BLK, _DIM), lambda i: (i, 0)),
        out_shape=jax.ShapeDtypeStruct((_B, _DIM), jnp.float32),
    )(embt, v3(age), v3(sin_month), v3(cos_month), v3(view_count),
      v3(click_count), v3(gender.astype(jnp.int32)),
      v3(country.astype(jnp.int32)), w1, b1, w2, b2)


def kernel(user_id, age, sin_month, cos_month, view_count, click_count,
           gender, country, user_table, W1, b1, W2, b2):
    embt = _sc_stage()(user_table.reshape(-1), user_id.astype(jnp.int32))
    return _mlp(embt, age, sin_month, cos_month, view_count, click_count,
                gender, country, W1, b1.reshape(_DIM, 1),
                W2, b2.reshape(_DIM, 1))

# --- scband reference (transcript-rebuilt; emitter-appended) ---
"""Pipeline reference for scband-query-tower-12240656794241 (READ-ONLY COPY).

The authoritative reference and input builder live on the scoring server;
editing this copy changes nothing except your own understanding.
"""

import jax, jax.numpy as jnp
import numpy as np

B = 16384
VOCAB = 1000
DIM = 16
NG = 3
NC = 32
IN_DIM = DIM + 5 + NG + NC  # 56


def setup_inputs(seed: int = 0) -> dict:
    key = jax.random.key(seed)
    ks = jax.random.split(key, 13)
    user_id = jax.random.randint(ks[0], (B,), 0, VOCAB)
    age = jax.random.normal(ks[1], (B,), dtype=jnp.float32)
    sin_month = jax.random.normal(ks[2], (B,), dtype=jnp.float32)
    cos_month = jax.random.normal(ks[3], (B,), dtype=jnp.float32)
    view_count = jax.random.uniform(ks[4], (B,), dtype=jnp.float32)
    click_count = jax.random.uniform(ks[5], (B,), dtype=jnp.float32)
    gender = jax.random.randint(ks[6], (B,), 0, NG)
    country = jax.random.randint(ks[7], (B,), 0, NC)
    user_table = jax.random.normal(ks[8], (VOCAB + 1, DIM), dtype=jnp.float32) * 0.02
    W1 = jax.random.normal(ks[9], (IN_DIM, DIM), dtype=jnp.float32) * 0.05
    b1 = jnp.zeros((DIM,), dtype=jnp.float32)
    W2 = jax.random.normal(ks[10], (DIM, DIM), dtype=jnp.float32) * 0.05
    b2 = jnp.zeros((DIM,), dtype=jnp.float32)
    return {
        'user_id': user_id, 'age': age, 'sin_month': sin_month,
        'cos_month': cos_month, 'view_count': view_count,
        'click_count': click_count, 'gender': gender, 'country': country,
        'user_table': user_table, 'W1': W1, 'b1': b1, 'W2': W2, 'b2': b2,
    }


def reference(user_id, age, sin_month, cos_month, view_count, click_count,
              gender, country, user_table, W1, b1, W2, b2):
    # embedding lookup (memory-bound gather)
    user_emb = jnp.take(user_table, user_id, axis=0)
    # normalization with running mean=0, std=1 (non-trainable buffers)
    eps = 1e-06
    age_n = ((age - 0.0) / (1.0 + eps))[:, None]
    sin_n = ((sin_month - 0.0) / (1.0 + eps))[:, None]
    cos_n = ((cos_month - 0.0) / (1.0 + eps))[:, None]
    views_n = ((view_count - 0.0) / (1.0 + eps))[:, None]
    clicks_n = ((click_count - 0.0) / (1.0 + eps))[:, None]
    gender_oh = jax.nn.one_hot(gender, NG, dtype=jnp.float32)
    country_oh = jax.nn.one_hot(country, NC, dtype=jnp.float32)
    x = jnp.concatenate([user_emb, age_n, sin_n, cos_n, views_n, clicks_n,
                         gender_oh, country_oh], axis=1)
    h = jax.nn.relu(x @ W1 + b1)
    out = h @ W2 + b2
    return out

if __name__ == "__main__":
    import jax
    _d = setup_inputs()
    print(jax.jit(kernel)(*tuple(_d.values())))

</pallas_src>

<mosaic_0001>
#map = affine_map<(d0, d1) -> (0)>
#map1 = affine_map<(d0, d1) -> (0, 0)>
module attributes {stable_mosaic.version = 14 : i64} {
  func.func @_sc_body(%arg0: i32, %arg1: i32, %arg2: memref<16016xf32, #tpu.memory_space<hbm>>, %arg3: memref<16384xi32, #tpu.memory_space<hbm>>, %arg4: memref<16x16384xf32, #tpu.memory_space<hbm>>, %arg5: memref<512xi32, #tpu.memory_space<vmem>>, %arg6: memref<16016xf32, #tpu.memory_space<vmem>>, %arg7: memref<16x512xf32, #tpu.memory_space<vmem>>) attributes {dimension_semantics = [#tpu.dimension_semantics<core_parallel>, #tpu.dimension_semantics<subcore_parallel>], iteration_bounds = array<i64: 2, 16>, scalar_prefetch = 0 : i64, scratch_operands = 3 : i64, tpu.core_type = #tpu.core_type<sc_vector_subcore>, window_params = [{transform_indices = #map}, {transform_indices = #map}, {transform_indices = #map1}]} {
    %mul3A = arith.constant 2 : i32
    %mul3A_0 = arith.muli %arg1, %mul3A : i32
    %add3A = arith.addi %mul3A_0, %arg0 : i32
    %mul3A_1 = arith.constant 512 : i32
    %mul3A_2 = arith.muli %add3A, %mul3A_1 : i32
    "tpu.region"() ({
      %run_scoped3A = tpu.sem_alloc : memref<!tpu.dma_semaphore, #tpu.memory_space<semaphore_mem>>
      %dma_start3A = tpu.memref_slice %arg3[%mul3A_2] : memref<16384xi32, #tpu.memory_space<hbm>> -> memref<512xi32, #tpu.memory_space<hbm>>
      %dma_start3A_8 = tpu.memref_slice %arg3[%mul3A_2] : memref<16384xi32, #tpu.memory_space<hbm>> -> memref<512xi32, #tpu.memory_space<hbm>>
      tpu.enqueue_dma source(%dma_start3A_8 : memref<512xi32, #tpu.memory_space<hbm>>) target(%arg5 : memref<512xi32, #tpu.memory_space<vmem>>) target_semaphore(%run_scoped3A : memref<!tpu.dma_semaphore, #tpu.memory_space<semaphore_mem>>)
      %dma_wait3A = tpu.memref_slice %arg3[%mul3A_2] : memref<16384xi32, #tpu.memory_space<hbm>> -> memref<512xi32, #tpu.memory_space<hbm>>
      %dma_wait3A_9 = tpu.memref_slice %arg3[%mul3A_2] : memref<16384xi32, #tpu.memory_space<hbm>> -> memref<512xi32, #tpu.memory_space<hbm>>
      tpu.wait_dma2 semaphore(%run_scoped3A : memref<!tpu.dma_semaphore, #tpu.memory_space<semaphore_mem>>) src(%dma_wait3A_9 : memref<512xi32, #tpu.memory_space<hbm>>) dst(%arg5 : memref<512xi32, #tpu.memory_space<vmem>>)
      tpu.yield
    }) : () -> ()
    "tpu.region"() ({
      %run_scoped3A = tpu.sem_alloc : memref<!tpu.dma_semaphore, #tpu.memory_space<semaphore_mem>>
      tpu.enqueue_dma source(%arg2 : memref<16016xf32, #tpu.memory_space<hbm>>) target(%arg6 : memref<16016xf32, #tpu.memory_space<vmem>>) target_semaphore(%run_scoped3A : memref<!tpu.dma_semaphore, #tpu.memory_space<semaphore_mem>>)
      tpu.wait_dma2 semaphore(%run_scoped3A : memref<!tpu.dma_semaphore, #tpu.memory_space<semaphore_mem>>) src(%arg2 : memref<16016xf32, #tpu.memory_space<hbm>>) dst(%arg6 : memref<16016xf32, #tpu.memory_space<vmem>>)
      tpu.yield
    }) : () -> ()
    %scan3A = arith.constant 0 : i32
    %scan3A_3 = arith.constant 0 : i32
    %scan3A_4 = arith.constant 32 : i32
    %scan3A_5 = arith.addi %scan3A_3, %scan3A_4 : i32
    %scan3A_6 = arith.constant 1 : i32
    scf.for %scan3A_8 = %scan3A_3 to %scan3A_5 step %scan3A_6  : i32 {
      %mul3A_9 = arith.constant 16 : i32
      %mul3A_10 = arith.muli %scan3A_8, %mul3A_9 : i32
      %get3A = arith.index_cast %mul3A_10 : i32 to index
      %get3A_11 = tpu.vector_load %arg5[%get3A] {strides = array<i32>} : memref<512xi32, #tpu.memory_space<vmem>>, vector<16xi32>,
      %mul3A_12 = arith.constant 16 : i32
      %mul3A_13 = vector.broadcast %mul3A_12 : i32 to vector<16xi32>
      %mul3A_14 = arith.muli %get3A_11, %mul3A_13 : vector<16xi32>
      %add3A_15 = arith.constant 0 : i32
      %add3A_16 = vector.broadcast %add3A_15 : i32 to vector<16xi32>
      %add3A_17 = arith.addi %mul3A_14, %add3A_16 : vector<16xi32>
      %gather3A = tpu.vector_load_idx %arg6[%add3A_17] : memref<16016xf32, #tpu.memory_space<vmem>>[vector<16xi32>], vector<16xf32>,
      %swap3A = arith.constant 0 : i32
      %swap3A_18 = arith.index_cast %swap3A : i32 to index
      %swap3A_19 = arith.index_cast %mul3A_10 : i32 to index
      %swap3A_20 = tpu.vector_load %arg7[%swap3A_18, %swap3A_19] {strides = array<i32>} : memref<16x512xf32, #tpu.memory_space<vmem>>, vector<16xf32>,
      tpu.vector_store %arg7[%swap3A_18, %swap3A_19], %gather3A {strides = array<i32>} : memref<16x512xf32, #tpu.memory_space<vmem>>, vector<16xf32>,
      %add3A_21 = arith.constant 1 : i32
      %add3A_22 = vector.broadcast %add3A_21 : i32 to vector<16xi32>
      %add3A_23 = arith.addi %mul3A_14, %add3A_22 : vector<16xi32>
      %gather3A_24 = tpu.vector_load_idx %arg6[%add3A_23] : memref<16016xf32, #tpu.memory_space<vmem>>[vector<16xi32>], vector<16xf32>,
      %swap3A_25 = arith.constant 1 : i32
      %swap3A_26 = arith.index_cast %swap3A_25 : i32 to index
      %swap3A_27 = arith.index_cast %mul3A_10 : i32 to index
      %swap3A_28 = tpu.vector_load %arg7[%swap3A_26, %swap3A_27] {strides = array<i32>} : memref<16x512xf32, #tpu.memory_space<vmem>>, vector<16xf32>,
      tpu.vector_store %arg7[%swap3A_26, %swap3A_27], %gather3A_24 {strides = array<i32>} : memref<16x512xf32, #tpu.memory_space<vmem>>, vector<16xf32>,
      %add3A_29 = arith.constant 2 : i32
      %add3A_30 = vector.broadcast %add3A_29 : i32 to vector<16xi32>
      %add3A_31 = arith.addi %mul3A_14, %add3A_30 : vector<16xi32>
      %gather3A_32 = tpu.vector_load_idx %arg6[%add3A_31] : memref<16016xf32, #tpu.memory_space<vmem>>[vector<16xi32>], vector<16xf32>,
      %swap3A_33 = arith.constant 2 : i32
      %swap3A_34 = arith.index_cast %swap3A_33 : i32 to index
      %swap3A_35 = arith.index_cast %mul3A_10 : i32 to index
      %swap3A_36 = tpu.vector_load %arg7[%swap3A_34, %swap3A_35] {strides = array<i32>} : memref<16x512xf32, #tpu.memory_space<vmem>>, vector<16xf32>,
      tpu.vector_store %arg7[%swap3A_34, %swap3A_35], %gather3A_32 {strides = array<i32>} : memref<16x512xf32, #tpu.memory_space<vmem>>, vector<16xf32>,
      %add3A_37 = arith.constant 3 : i32
      %add3A_38 = vector.broadcast %add3A_37 : i32 to vector<16xi32>
      %add3A_39 = arith.addi %mul3A_14, %add3A_38 : vector<16xi32>
      %gather3A_40 = tpu.vector_load_idx %arg6[%add3A_39] : memref<16016xf32, #tpu.memory_space<vmem>>[vector<16xi32>], vector<16xf32>,
      %swap3A_41 = arith.constant 3 : i32
      %swap3A_42 = arith.index_cast %swap3A_41 : i32 to index
      %swap3A_43 = arith.index_cast %mul3A_10 : i32 to index
      %swap3A_44 = tpu.vector_load %arg7[%swap3A_42, %swap3A_43] {strides = array<i32>} : memref<16x512xf32, #tpu.memory_space<vmem>>, vector<16xf32>,
      tpu.vector_store %arg7[%swap3A_42, %swap3A_43], %gather3A_40 {strides = array<i32>} : memref<16x512xf32, #tpu.memory_space<vmem>>, vector<16xf32>,
      %add3A_45 = arith.constant 4 : i32
      %add3A_46 = vector.broadcast %add3A_45 : i32 to vector<16xi32>
      %add3A_47 = arith.addi %mul3A_14, %add3A_46 : vector<16xi32>
      %gather3A_48 = tpu.vector_load_idx %arg6[%add3A_47] : memref<16016xf32, #tpu.memory_space<vmem>>[vector<16xi32>], vector<16xf32>,
      %swap3A_49 = arith.constant 4 : i32
      %swap3A_50 = arith.index_cast %swap3A_49 : i32 to index
      %swap3A_51 = arith.index_cast %mul3A_10 : i32 to index
      %swap3A_52 = tpu.vector_load %arg7[%swap3A_50, %swap3A_51] {strides = array<i32>} : memref<16x512xf32, #tpu.memory_space<vmem>>, vector<16xf32>,
      tpu.vector_store %arg7[%swap3A_50, %swap3A_51], %gather3A_48 {strides = array<i32>} : memref<16x512xf32, #tpu.memory_space<vmem>>, vector<16xf32>,
      %add3A_53 = arith.constant 5 : i32
      %add3A_54 = vector.broadcast %add3A_53 : i32 to vector<16xi32>
      %add3A_55 = arith.addi %mul3A_14, %add3A_54 : vector<16xi32>
      %gather3A_56 = tpu.vector_load_idx %arg6[%add3A_55] : memref<16016xf32, #tpu.memory_space<vmem>>[vector<16xi32>], vector<16xf32>,
      %swap3A_57 = arith.constant 5 : i32
      %swap3A_58 = arith.index_cast %swap3A_57 : i32 to index
      %swap3A_59 = arith.index_cast %mul3A_10 : i32 to index
      %swap3A_60 = tpu.vector_load %arg7[%swap3A_58, %swap3A_59] {strides = array<i32>} : memref<16x512xf32, #tpu.memory_space<vmem>>, vector<16xf32>,
      tpu.vector_store %arg7[%swap3A_58, %swap3A_59], %gather3A_56 {strides = array<i32>} : memref<16x512xf32, #tpu.memory_space<vmem>>, vector<16xf32>,
      %add3A_61 = arith.constant 6 : i32
      %add3A_62 = vector.broadcast %add3A_61 : i32 to vector<16xi32>
      %add3A_63 = arith.addi %mul3A_14, %add3A_62 : vector<16xi32>
      %gather3A_64 = tpu.vector_load_idx %arg6[%add3A_63] : memref<16016xf32, #tpu.memory_space<vmem>>[vector<16xi32>], vector<16xf32>,
      %swap3A_65 = arith.constant 6 : i32
      %swap3A_66 = arith.index_cast %swap3A_65 : i32 to index
      %swap3A_67 = arith.index_cast %mul3A_10 : i32 to index
      %swap3A_68 = tpu.vector_load %arg7[%swap3A_66, %swap3A_67] {strides = array<i32>} : memref<16x512xf32, #tpu.memory_space<vmem>>, vector<16xf32>,
      tpu.vector_store %arg7[%swap3A_66, %swap3A_67], %gather3A_64 {strides = array<i32>} : memref<16x512xf32, #tpu.memory_space<vmem>>, vector<16xf32>,
      %add3A_69 = arith.constant 7 : i32
      %add3A_70 = vector.broadcast %add3A_69 : i32 to vector<16xi32>
      %add3A_71 = arith.addi %mul3A_14, %add3A_70 : vector<16xi32>
      %gather3A_72 = tpu.vector_load_idx %arg6[%add3A_71] : memref<16016xf32, #tpu.memory_space<vmem>>[vector<16xi32>], vector<16xf32>,
      %swap3A_73 = arith.constant 7 : i32
      %swap3A_74 = arith.index_cast %swap3A_73 : i32 to index
      %swap3A_75 = arith.index_cast %mul3A_10 : i32 to index
      %swap3A_76 = tpu.vector_load %arg7[%swap3A_74, %swap3A_75] {strides = array<i32>} : memref<16x512xf32, #tpu.memory_space<vmem>>, vector<16xf32>,
      tpu.vector_store %arg7[%swap3A_74, %swap3A_75], %gather3A_72 {strides = array<i32>} : memref<16x512xf32, #tpu.memory_space<vmem>>, vector<16xf32>,
      %add3A_77 = arith.constant 8 : i32
      %add3A_78 = vector.broadcast %add3A_77 : i32 to vector<16xi32>
      %add3A_79 = arith.addi %mul3A_14, %add3A_78 : vector<16xi32>
      %gather3A_80 = tpu.vector_load_idx %arg6[%add3A_79] : memref<16016xf32, #tpu.memory_space<vmem>>[vector<16xi32>], vector<16xf32>,
      %swap3A_81 = arith.constant 8 : i32
      %swap3A_82 = arith.index_cast %swap3A_81 : i32 to index
      %swap3A_83 = arith.index_cast %mul3A_10 : i32 to index
      %swap3A_84 = tpu.vector_load %arg7[%swap3A_82, %swap3A_83] {strides = array<i32>} : memref<16x512xf32, #tpu.memory_space<vmem>>, vector<16xf32>,
      tpu.vector_store %arg7[%swap3A_82, %swap3A_83], %gather3A_80 {strides = array<i32>} : memref<16x512xf32, #tpu.memory_space<vmem>>, vector<16xf32>,
      %add3A_85 = arith.constant 9 : i32
      %add3A_86 = vector.broadcast %add3A_85 : i32 to vector<16xi32>
      %add3A_87 = arith.addi %mul3A_14, %add3A_86 : vector<16xi32>
      %gather3A_88 = tpu.vector_load_idx %arg6[%add3A_87] : memref<16016xf32, #tpu.memory_space<vmem>>[vector<16xi32>], vector<16xf32>,
      %swap3A_89 = arith.constant 9 : i32
      %swap3A_90 = arith.index_cast %swap3A_89 : i32 to index
      %swap3A_91 = arith.index_cast %mul3A_10 : i32 to index
      %swap3A_92 = tpu.vector_load %arg7[%swap3A_90, %swap3A_91] {strides = array<i32>} : memref<16x512xf32, #tpu.memory_space<vmem>>, vector<16xf32>,
      tpu.vector_store %arg7[%swap3A_90, %swap3A_91], %gather3A_88 {strides = array<i32>} : memref<16x512xf32, #tpu.memory_space<vmem>>, vector<16xf32>,
      %add3A_93 = arith.constant 10 : i32
      %add3A_94 = vector.broadcast %add3A_93 : i32 to vector<16xi32>
      %add3A_95 = arith.addi %mul3A_14, %add3A_94 : vector<16xi32>
      %gather3A_96 = tpu.vector_load_idx %arg6[%add3A_95] : memref<16016xf32, #tpu.memory_space<vmem>>[vector<16xi32>], vector<16xf32>,
      %swap3A_97 = arith.constant 10 : i32
      %swap3A_98 = arith.index_cast %swap3A_97 : i32 to index
      %swap3A_99 = arith.index_cast %mul3A_10 : i32 to index
      %swap3A_100 = tpu.vector_load %arg7[%swap3A_98, %swap3A_99] {strides = array<i32>} : memref<16x512xf32, #tpu.memory_space<vmem>>, vector<16xf32>,
      tpu.vector_store %arg7[%swap3A_98, %swap3A_99], %gather3A_96 {strides = array<i32>} : memref<16x512xf32, #tpu.memory_space<vmem>>, vector<16xf32>,
      %add3A_101 = arith.constant 11 : i32
      %add3A_102 = vector.broadcast %add3A_101 : i32 to vector<16xi32>
      %add3A_103 = arith.addi %mul3A_14, %add3A_102 : vector<16xi32>
      %gather3A_104 = tpu.vector_load_idx %arg6[%add3A_103] : memref<16016xf32, #tpu.memory_space<vmem>>[vector<16xi32>], vector<16xf32>,
      %swap3A_105 = arith.constant 11 : i32
      %swap3A_106 = arith.index_cast %swap3A_105 : i32 to index
      %swap3A_107 = arith.index_cast %mul3A_10 : i32 to index
      %swap3A_108 = tpu.vector_load %arg7[%swap3A_106, %swap3A_107] {strides = array<i32>} : memref<16x512xf32, #tpu.memory_space<vmem>>, vector<16xf32>,
      tpu.vector_store %arg7[%swap3A_106, %swap3A_107], %gather3A_104 {strides = array<i32>} : memref<16x512xf32, #tpu.memory_space<vmem>>, vector<16xf32>,
      %add3A_109 = arith.constant 12 : i32
      %add3A_110 = vector.broadcast %add3A_109 : i32 to vector<16xi32>
      %add3A_111 = arith.addi %mul3A_14, %add3A_110 : vector<16xi32>
      %gather3A_112 = tpu.vector_load_idx %arg6[%add3A_111] : memref<16016xf32, #tpu.memory_space<vmem>>[vector<16xi32>], vector<16xf32>,
      %swap3A_113 = arith.constant 12 : i32
      %swap3A_114 = arith.index_cast %swap3A_113 : i32 to index
      %swap3A_115 = arith.index_cast %mul3A_10 : i32 to index
      %swap3A_116 = tpu.vector_load %arg7[%swap3A_114, %swap3A_115] {strides = array<i32>} : memref<16x512xf32, #tpu.memory_space<vmem>>, vector<16xf32>,
      tpu.vector_store %arg7[%swap3A_114, %swap3A_115], %gather3A_112 {strides = array<i32>} : memref<16x512xf32, #tpu.memory_space<vmem>>, vector<16xf32>,
      %add3A_117 = arith.constant 13 : i32
      %add3A_118 = vector.broadcast %add3A_117 : i32 to vector<16xi32>
      %add3A_119 = arith.addi %mul3A_14, %add3A_118 : vector<16xi32>
      %gather3A_120 = tpu.vector_load_idx %arg6[%add3A_119] : memref<16016xf32, #tpu.memory_space<vmem>>[vector<16xi32>], vector<16xf32>,
      %swap3A_121 = arith.constant 13 : i32
      %swap3A_122 = arith.index_cast %swap3A_121 : i32 to index
      %swap3A_123 = arith.index_cast %mul3A_10 : i32 to index
      %swap3A_124 = tpu.vector_load %arg7[%swap3A_122, %swap3A_123] {strides = array<i32>} : memref<16x512xf32, #tpu.memory_space<vmem>>, vector<16xf32>,
      tpu.vector_store %arg7[%swap3A_122, %swap3A_123], %gather3A_120 {strides = array<i32>} : memref<16x512xf32, #tpu.memory_space<vmem>>, vector<16xf32>,
      %add3A_125 = arith.constant 14 : i32
      %add3A_126 = vector.broadcast %add3A_125 : i32 to vector<16xi32>
      %add3A_127 = arith.addi %mul3A_14, %add3A_126 : vector<16xi32>
      %gather3A_128 = tpu.vector_load_idx %arg6[%add3A_127] : memref<16016xf32, #tpu.memory_space<vmem>>[vector<16xi32>], vector<16xf32>,
      %swap3A_129 = arith.constant 14 : i32
      %swap3A_130 = arith.index_cast %swap3A_129 : i32 to index
      %swap3A_131 = arith.index_cast %mul3A_10 : i32 to index
      %swap3A_132 = tpu.vector_load %arg7[%swap3A_130, %swap3A_131] {strides = array<i32>} : memref<16x512xf32, #tpu.memory_space<vmem>>, vector<16xf32>,
      tpu.vector_store %arg7[%swap3A_130, %swap3A_131], %gather3A_128 {strides = array<i32>} : memref<16x512xf32, #tpu.memory_space<vmem>>, vector<16xf32>,
      %add3A_133 = arith.constant 15 : i32
      %add3A_134 = vector.broadcast %add3A_133 : i32 to vector<16xi32>
      %add3A_135 = arith.addi %mul3A_14, %add3A_134 : vector<16xi32>
      %gather3A_136 = tpu.vector_load_idx %arg6[%add3A_135] : memref<16016xf32, #tpu.memory_space<vmem>>[vector<16xi32>], vector<16xf32>,
      %swap3A_137 = arith.constant 15 : i32
      %swap3A_138 = arith.index_cast %swap3A_137 : i32 to index
      %swap3A_139 = arith.index_cast %mul3A_10 : i32 to index
      %swap3A_140 = tpu.vector_load %arg7[%swap3A_138, %swap3A_139] {strides = array<i32>} : memref<16x512xf32, #tpu.memory_space<vmem>>, vector<16xf32>,
      tpu.vector_store %arg7[%swap3A_138, %swap3A_139], %gather3A_136 {strides = array<i32>} : memref<16x512xf32, #tpu.memory_space<vmem>>, vector<16xf32>,
    }
    %scan3A_7 = arith.constant 32 : i32
    "tpu.region"() ({
      %run_scoped3A = tpu.sem_alloc : memref<!tpu.dma_semaphore, #tpu.memory_space<semaphore_mem>>
      %dma_start3A = arith.constant 0 : i32
      %dma_start3A_8 = tpu.memref_slice %arg4[%dma_start3A, %mul3A_2] : memref<16x16384xf32, #tpu.memory_space<hbm>> -> memref<16x512xf32, #tpu.memory_space<hbm>>
      %dma_start3A_9 = arith.constant 0 : i32
      %dma_start3A_10 = tpu.memref_slice %arg4[%dma_start3A_9, %mul3A_2] : memref<16x16384xf32, #tpu.memory_space<hbm>> -> memref<16x512xf32, #tpu.memory_space<hbm>>
      tpu.enqueue_dma source(%arg7 : memref<16x512xf32, #tpu.memory_space<vmem>>) target(%dma_start3A_10 : memref<16x512xf32, #tpu.memory_space<hbm>>) target_semaphore(%run_scoped3A : memref<!tpu.dma_semaphore, #tpu.memory_space<semaphore_mem>>)
      %dma_wait3A = arith.constant 0 : i32
      %dma_wait3A_11 = tpu.memref_slice %arg4[%dma_wait3A, %mul3A_2] : memref<16x16384xf32, #tpu.memory_space<hbm>> -> memref<16x512xf32, #tpu.memory_space<hbm>>
      %dma_wait3A_12 = arith.constant 0 : i32
      %dma_wait3A_13 = tpu.memref_slice %arg4[%dma_wait3A_12, %mul3A_2] : memref<16x16384xf32, #tpu.memory_space<hbm>> -> memref<16x512xf32, #tpu.memory_space<hbm>>
      tpu.wait_dma2 semaphore(%run_scoped3A : memref<!tpu.dma_semaphore, #tpu.memory_space<semaphore_mem>>) src(%arg7 : memref<16x512xf32, #tpu.memory_space<vmem>>) dst(%dma_wait3A_13 : memref<16x512xf32, #tpu.memory_space<hbm>>)
      tpu.yield
    }) : () -> ()
    return
  }
}

module attributes {stable_mosaic.version = 14 : i64} {
  func.func @_mlp_body(%arg0: i32, %arg1: memref<16x8192xf32, #tpu.memory_space<vmem>>, %arg2: memref<1x1x8192xf32, #tpu.memory_space<vmem>>, %arg3: memref<1x1x8192xf32, #tpu.memory_space<vmem>>, %arg4: memref<1x1x8192xf32, #tpu.memory_space<vmem>>, %arg5: memref<1x1x8192xf32, #tpu.memory_space<vmem>>, %arg6: memref<1x1x8192xf32, #tpu.memory_space<vmem>>, %arg7: memref<1x1x8192xi32, #tpu.memory_space<vmem>>, %arg8: memref<1x1x8192xi32, #tpu.memory_space<vmem>>, %arg9: memref<56x16xf32, #tpu.memory_space<vmem>>, %arg10: memref<16x1xf32, #tpu.memory_space<vmem>>, %arg11: memref<16x16xf32, #tpu.memory_space<vmem>>, %arg12: memref<16x1xf32, #tpu.memory_space<vmem>>, %arg13: memref<8192x16xf32, #tpu.memory_space<vmem>>) attributes {dimension_semantics = [#tpu.dimension_semantics<arbitrary>], iteration_bounds = array<i64: 2>, scalar_prefetch = 0 : i64, scratch_operands = 0 : i64, tpu.core_type = #tpu.core_type<tc>, window_params = [{transform_indices = @transform_0, window_bounds = array<i64: 16, 8192>}, {transform_indices = @transform_1, window_bounds = array<i64: 1, 1, 8192>}, {transform_indices = @transform_2, window_bounds = array<i64: 1, 1, 8192>}, {transform_indices = @transform_3, window_bounds = array<i64: 1, 1, 8192>}, {transform_indices = @transform_4, window_bounds = array<i64: 1, 1, 8192>}, {transform_indices = @transform_5, window_bounds = array<i64: 1, 1, 8192>}, {transform_indices = @transform_6, window_bounds = array<i64: 1, 1, 8192>}, {transform_indices = @transform_7, window_bounds = array<i64: 1, 1, 8192>}, {pipeline_mode = #tpu.pipeline_mode<synchronous>, transform_indices = @transform_8, window_bounds = array<i64: 56, 16>}, {pipeline_mode = #tpu.pipeline_mode<synchronous>, transform_indices = @transform_9, window_bounds = array<i64: 16, 1>}, {pipeline_mode = #tpu.pipeline_mode<synchronous>, transform_indices = @transform_10, window_bounds = array<i64: 16, 16>}, {pipeline_mode = #tpu.pipeline_mode<synchronous>, transform_indices = @transform_11, window_bounds = array<i64: 16, 1>}, {transform_indices = @transform_12, window_bounds = array<i64: 8192, 16>}]} {
    %get3A = arith.constant 0 : index
    %get3A_0 = arith.constant 0 : index
    %get3A_1 = vector.load %arg9[%get3A, %get3A_0] : memref<56x16xf32, #tpu.memory_space<vmem>>, vector<56x16xf32>
    %get3A_2 = arith.constant 0 : index
    %get3A_3 = arith.constant 0 : index
    %get3A_4 = arith.constant 0 : index
    %get3A_5 = vector.load %arg2[%get3A_2, %get3A_3, %get3A_4] : memref<1x1x8192xf32, #tpu.memory_space<vmem>>, vector<1x1x8192xf32>
    %get3A_6 = vector.shape_cast %get3A_5 : vector<1x1x8192xf32> to vector<1x8192xf32>
    %get3A_7 = arith.constant 0 : index
    %get3A_8 = arith.constant 0 : index
    %get3A_9 = arith.constant 0 : index
    %get3A_10 = vector.load %arg3[%get3A_7, %get3A_8, %get3A_9] : memref<1x1x8192xf32, #tpu.memory_space<vmem>>, vector<1x1x8192xf32>
    %get3A_11 = vector.shape_cast %get3A_10 : vector<1x1x8192xf32> to vector<1x8192xf32>
    %get3A_12 = arith.constant 0 : index
    %get3A_13 = arith.constant 0 : index
    %get3A_14 = arith.constant 0 : index
    %get3A_15 = vector.load %arg4[%get3A_12, %get3A_13, %get3A_14] : memref<1x1x8192xf32, #tpu.memory_space<vmem>>, vector<1x1x8192xf32>
    %get3A_16 = vector.shape_cast %get3A_15 : vector<1x1x8192xf32> to vector<1x8192xf32>
    %get3A_17 = arith.constant 0 : index
    %get3A_18 = arith.constant 0 : index
    %get3A_19 = arith.constant 0 : index
    %get3A_20 = vector.load %arg5[%get3A_17, %get3A_18, %get3A_19] : memref<1x1x8192xf32, #tpu.memory_space<vmem>>, vector<1x1x8192xf32>
    %get3A_21 = vector.shape_cast %get3A_20 : vector<1x1x8192xf32> to vector<1x8192xf32>
    %get3A_22 = arith.constant 0 : index
    %get3A_23 = arith.constant 0 : index
    %get3A_24 = arith.constant 0 : index
    %get3A_25 = vector.load %arg6[%get3A_22, %get3A_23, %get3A_24] : memref<1x1x8192xf32, #tpu.memory_space<vmem>>, vector<1x1x8192xf32>
    %get3A_26 = vector.shape_cast %get3A_25 : vector<1x1x8192xf32> to vector<1x8192xf32>
    %concatenate3A = tpu.concatenate %get3A_6, %get3A_11, %get3A_16, %get3A_21, %get3A_26 in 0 : vector<1x8192xf32>, vector<1x8192xf32>, vector<1x8192xf32>, vector<1x8192xf32>, vector<1x8192xf32> -> vector<5x8192xf32>
    %iota3A = tpu.iota {dimensions = array<i32: 0>} : vector<3x8192xi32>
    %get3A_27 = arith.constant 0 : index
    %get3A_28 = arith.constant 0 : index
    %get3A_29 = arith.constant 0 : index
    %get3A_30 = vector.load %arg7[%get3A_27, %get3A_28, %get3A_29] : memref<1x1x8192xi32, #tpu.memory_space<vmem>>, vector<1x1x8192xi32>
    %get3A_31 = vector.shape_cast %get3A_30 : vector<1x1x8192xi32> to vector<1x8192xi32>
    %eq3A = vector.broadcast %get3A_31 : vector<1x8192xi32> to vector<3x8192xi32>
    %eq3A_32 = arith.cmpi eq, %iota3A, %eq3A : vector<3x8192xi32>
    %convert_element_type3A = arith.extui %eq3A_32 : vector<3x8192xi1> to vector<3x8192xi32>
    %convert_element_type3A_33 = arith.sitofp %convert_element_type3A : vector<3x8192xi32> to vector<3x8192xf32>
    %iota3A_34 = tpu.iota {dimensions = array<i32: 0>} : vector<32x8192xi32>
    %get3A_35 = arith.constant 0 : index
    %get3A_36 = arith.constant 0 : index
    %get3A_37 = arith.constant 0 : index
    %get3A_38 = vector.load %arg8[%get3A_35, %get3A_36, %get3A_37] : memref<1x1x8192xi32, #tpu.memory_space<vmem>>, vector<1x1x8192xi32>
    %get3A_39 = vector.shape_cast %get3A_38 : vector<1x1x8192xi32> to vector<1x8192xi32>
    %eq3A_40 = vector.broadcast %get3A_39 : vector<1x8192xi32> to vector<32x8192xi32>
    %eq3A_41 = arith.cmpi eq, %iota3A_34, %eq3A_40 : vector<32x8192xi32>
    %convert_element_type3A_42 = arith.extui %eq3A_41 : vector<32x8192xi1> to vector<32x8192xi32>
    %convert_element_type3A_43 = arith.sitofp %convert_element_type3A_42 : vector<32x8192xi32> to vector<32x8192xf32>
    %slice3A = vector.extract_strided_slice %get3A_1 {offsets = [0, 0], sizes = [16, 16], strides = [1, 1]} : vector<56x16xf32> to vector<16x16xf32>
    %get3A_44 = arith.constant 0 : index
    %get3A_45 = arith.constant 0 : index
    %get3A_46 = vector.load %arg1[%get3A_44, %get3A_45] : memref<16x8192xf32, #tpu.memory_space<vmem>>, vector<16x8192xf32>
    %dot_general3A = arith.constant dense<0.000000e+00> : vector<16x8192xf32>
    %dot_general3A_47 = tpu.matmul %slice3A, %get3A_46, %dot_general3A {dimension_numbers = #tpu.dot_dimension_numbers<[0], [0], [1], [1], [0, 1, 1, 1], [], []>, transpose_lhs_hint = false} : vector<16x16xf32>, vector<16x8192xf32>, vector<16x8192xf32> -> vector<16x8192xf32>
    %slice3A_48 = vector.extract_strided_slice %get3A_1 {offsets = [16, 0], sizes = [5, 16], strides = [1, 1]} : vector<56x16xf32> to vector<5x16xf32>
    %mul3A = arith.constant 0.999998986 : f32
    %mul3A_49 = vector.broadcast %mul3A : f32 to vector<5x16xf32>
    %mul3A_50 = arith.mulf %slice3A_48, %mul3A_49 : vector<5x16xf32>
    %dot_general3A_51 = arith.constant dense<0.000000e+00> : vector<16x8192xf32>
    %dot_general3A_52 = tpu.matmul %mul3A_50, %concatenate3A, %dot_general3A_51 {dimension_numbers = #tpu.dot_dimension_numbers<[0], [0], [1], [1], [0, 1, 1, 1], [], []>, transpose_lhs_hint = false} : vector<5x16xf32>, vector<5x8192xf32>, vector<16x8192xf32> -> vector<16x8192xf32>
    %add3A = arith.addf %dot_general3A_47, %dot_general3A_52 : vector<16x8192xf32>
    %slice3A_53 = vector.extract_strided_slice %get3A_1 {offsets = [21, 0], sizes = [3, 16], strides = [1, 1]} : vector<56x16xf32> to vector<3x16xf32>
    %dot_general3A_54 = arith.constant dense<0.000000e+00> : vector<16x8192xf32>
    %dot_general3A_55 = tpu.matmul %slice3A_53, %convert_element_type3A_33, %dot_general3A_54 {dimension_numbers = #tpu.dot_dimension_numbers<[0], [0], [1], [1], [0, 1, 1, 1], [], []>, transpose_lhs_hint = false} : vector<3x16xf32>, vector<3x8192xf32>, vector<16x8192xf32> -> vector<16x8192xf32>
    %add3A_56 = arith.addf %add3A, %dot_general3A_55 : vector<16x8192xf32>
    %slice3A_57 = vector.extract_strided_slice %get3A_1 {offsets = [24, 0], sizes = [32, 16], strides = [1, 1]} : vector<56x16xf32> to vector<32x16xf32>
    %dot_general3A_58 = arith.constant dense<0.000000e+00> : vector<16x8192xf32>
    %dot_general3A_59 = tpu.matmul %slice3A_57, %convert_element_type3A_43, %dot_general3A_58 {dimension_numbers = #tpu.dot_dimension_numbers<[0], [0], [1], [1], [0, 1, 1, 1], [], []>, transpose_lhs_hint = false} : vector<32x16xf32>, vector<32x8192xf32>, vector<16x8192xf32> -> vector<16x8192xf32>
    %add3A_60 = arith.addf %add3A_56, %dot_general3A_59 : vector<16x8192xf32>
    %get3A_61 = arith.constant 0 : index
    %get3A_62 = arith.constant 0 : index
    %get3A_63 = vector.load %arg10[%get3A_61, %get3A_62] : memref<16x1xf32, #tpu.memory_space<vmem>>, vector<16x1xf32>
    %add3A_64 = vector.broadcast %get3A_63 : vector<16x1xf32> to vector<16x8192xf32>
    %add3A_65 = arith.addf %add3A_60, %add3A_64 : vector<16x8192xf32>
    %max3A = arith.constant 0.000000e+00 : f32
    %max3A_66 = vector.broadcast %max3A : f32 to vector<16x8192xf32>
    %max3A_67 = arith.maximumf %add3A_65, %max3A_66 : vector<16x8192xf32>
    %get3A_68 = arith.constant 0 : index
    %get3A_69 = arith.constant 0 : index
    %get3A_70 = vector.load %arg11[%get3A_68, %get3A_69] : memref<16x16xf32, #tpu.memory_space<vmem>>, vector<16x16xf32>
    %dot_general3A_71 = arith.constant dense<0.000000e+00> : vector<16x8192xf32>
    %dot_general3A_72 = tpu.matmul %get3A_70, %max3A_67, %dot_general3A_71 {dimension_numbers = #tpu.dot_dimension_numbers<[0], [0], [1], [1], [0, 1, 1, 1], [], []>, transpose_lhs_hint = false} : vector<16x16xf32>, vector<16x8192xf32>, vector<16x8192xf32> -> vector<16x8192xf32>
    %get3A_73 = arith.constant 0 : index
    %get3A_74 = arith.constant 0 : index
    %get3A_75 = vector.load %arg12[%get3A_73, %get3A_74] : memref<16x1xf32, #tpu.memory_space<vmem>>, vector<16x1xf32>
    %add3A_76 = vector.broadcast %get3A_75 : vector<16x1xf32> to vector<16x8192xf32>
    %add3A_77 = arith.addf %dot_general3A_72, %add3A_76 : vector<16x8192xf32>
    %transpose3A = tpu.transpose %add3A_77, [1, 0] : vector<16x8192xf32> -> vector<8192x16xf32>
    %swap3A = arith.constant 0 : index
    %swap3A_78 = arith.constant 0 : index
    %swap3A_79 = vector.load %arg13[%swap3A, %swap3A_78] : memref<8192x16xf32, #tpu.memory_space<vmem>>, vector<8192x16xf32>
    tpu.vector_store %arg13[%swap3A, %swap3A_78], %transpose3A {strides = array<i32>} : memref<8192x16xf32, #tpu.memory_space<vmem>>, vector<8192x16xf32>,
    return
  }
  func.func @transform_0(%arg0: i32) -> (i32, i32) {
    %c0_i32 = arith.constant 0 : i32
    %c0_i32_0 = arith.constant 0 : i32
    return %c0_i32, %arg0 : i32, i32
  }
  func.func @transform_1(%arg0: i32) -> (i32, i32, i32) {
    %c0_i32 = arith.constant 0 : i32
    %c0_i32_0 = arith.constant 0 : i32
    %c0_i32_1 = arith.constant 0 : i32
    return %arg0, %c0_i32, %c0_i32_0 : i32, i32, i32
  }
  func.func @transform_2(%arg0: i32) -> (i32, i32, i32) {
    %c0_i32 = arith.constant 0 : i32
    %c0_i32_0 = arith.constant 0 : i32
    %c0_i32_1 = arith.constant 0 : i32
    return %arg0, %c0_i32, %c0_i32_0 : i32, i32, i32
  }
  func.func @transform_3(%arg0: i32) -> (i32, i32, i32) {
    %c0_i32 = arith.constant 0 : i32
    %c0_i32_0 = arith.constant 0 : i32
    %c0_i32_1 = arith.constant 0 : i32
    return %arg0, %c0_i32, %c0_i32_0 : i32, i32, i32
  }
  func.func @transform_4(%arg0: i32) -> (i32, i32, i32) {
    %c0_i32 = arith.constant 0 : i32
    %c0_i32_0 = arith.constant 0 : i32
    %c0_i32_1 = arith.constant 0 : i32
    return %arg0, %c0_i32, %c0_i32_0 : i32, i32, i32
  }
  func.func @transform_5(%arg0: i32) -> (i32, i32, i32) {
    %c0_i32 = arith.constant 0 : i32
    %c0_i32_0 = arith.constant 0 : i32
    %c0_i32_1 = arith.constant 0 : i32
    return %arg0, %c0_i32, %c0_i32_0 : i32, i32, i32
  }
  func.func @transform_6(%arg0: i32) -> (i32, i32, i32) {
    %c0_i32 = arith.constant 0 : i32
    %c0_i32_0 = arith.constant 0 : i32
    %c0_i32_1 = arith.constant 0 : i32
    return %arg0, %c0_i32, %c0_i32_0 : i32, i32, i32
  }
  func.func @transform_7(%arg0: i32) -> (i32, i32, i32) {
    %c0_i32 = arith.constant 0 : i32
    %c0_i32_0 = arith.constant 0 : i32
    %c0_i32_1 = arith.constant 0 : i32
    return %arg0, %c0_i32, %c0_i32_0 : i32, i32, i32
  }
  func.func @transform_8(%arg0: i32) -> (i32, i32) {
    %c0_i32 = arith.constant 0 : i32
    %c0_i32_0 = arith.constant 0 : i32
    %c0_i32_1 = arith.constant 0 : i32
    return %c0_i32, %c0_i32_0 : i32, i32
  }
  func.func @transform_9(%arg0: i32) -> (i32, i32) {
    %c0_i32 = arith.constant 0 : i32
    %c0_i32_0 = arith.constant 0 : i32
    %c0_i32_1 = arith.constant 0 : i32
    return %c0_i32, %c0_i32_0 : i32, i32
  }
  func.func @transform_10(%arg0: i32) -> (i32, i32) {
    %c0_i32 = arith.constant 0 : i32
    %c0_i32_0 = arith.constant 0 : i32
    %c0_i32_1 = arith.constant 0 : i32
    return %c0_i32, %c0_i32_0 : i32, i32
  }
  func.func @transform_11(%arg0: i32) -> (i32, i32) {
    %c0_i32 = arith.constant 0 : i32
    %c0_i32_0 = arith.constant 0 : i32
    %c0_i32_1 = arith.constant 0 : i32
    return %c0_i32, %c0_i32_0 : i32, i32
  }
  func.func @transform_12(%arg0: i32) -> (i32, i32) {
    %c0_i32 = arith.constant 0 : i32
    %c0_i32_0 = arith.constant 0 : i32
    return %arg0, %c0_i32 : i32, i32
  }
}

</mosaic_0001>

<sc_bundles>
// kernel: kernel.4.cloned.1.call-start
scs
__scs_entry_jumppad:
0x0: {  	(pc) =	sbr.rel $0x88, $3  }
0x1: {  	(tag) =	ssettag $0x0;
	lr =	simm.s32 $0x1  }
0x2: {  	[smem:$0x3F94] =	sst lr;
	_ =	strace $0xD0000000  }
0x3: {  	_ = 	snop  }
0x4: {  	_ = 	snop  }
0x5: {  	_ = 	snop  }
0x6: {  	_ = 	snop  }
0x7: {  	_ = 	snop  }
__scs_overlays_trampoline_lowered:
0x8: {  	[smem:$0x3FA3] =	sst s0  }
0x9: {  	[smem:$0x3FA4] =	sst s1  }
0xa: {  	[smem:$0x3FA5] =	sst s2  }
0xb: {  	[smem:$0x3FA6] =	sst s3  }
0xc: {  	[smem:$0x3FA7] =	sst s4  }
0xd: {  	[smem:$0x3FA8] =	sst s5  }
0xe: {  	[smem:$0x3FA9] =	sst s6  }
0xf: {  	[smem:$0x3FAA] =	sst s7  }
0x10: {  	[smem:$0x3FAB] =	sst s8  }
0x11: {  	[smem:$0x3FAC] =	sst s9;
	s0 =	simm.s32 @!p0 $0x0  }
0x12: {  	s1 =	sld [smem:$0x3F92];
	s0 =	simm.s32 @p0 $0x1  }
0x13: {  	[smem:$0x3FAD] =	sst s0;
	s0 =	simm.s32 @!p1 $0x0  }
0x14: {  	s2 =	sld [smem:$0x3F91];
	s0 =	simm.s32 @p1 $0x1  }
0x15: {  	[smem:$0x3FAE] =	sst s0;
	s0 =	simm.s32 @!p2 $0x0  }
0x16: {  	s3 =	sld [smem:$0x3FDB];
	s0 =	simm.s32 @p2 $0x1  }
0x17: {  	s4 =	simm.s32 $0x1BF5;
	[smem:$0x3FB0] =	sst s0  }
0x18: {  	s0 =	sld [smem:$0x3F93];
	_ =	swait.ge [sflag:s4], $0x0  }
0x19: {  	s7 =	sld [smem:$0x3F94]  }
0x1a: {  	s8 =	sadd.s32 $0xFFFFE003, lr  }
0x1b: {  	s9 =	sadd.s32 $0xFFFFFEF7, lr;
	s5 =	simm.s32 $0xFFFFFFFF;
	p2 =	slt.u32 s8, $0xFFFFF086  }
0x1c: {  	p1 =	slt.u32 s9, $0xF7A;
	s5 =	simm.s32 @!p2 $0x0  }
0x1d: {  	s5 =	simm.s32 @p1 $0x1;
	p0 =	seq.s32 s7, s2  }
0x1e: {  	s7 =	smul.u32 @!p0 $0xF7A, s2;
	p2 =	seq.s32 @!p0 s5, $0x0  }
0x1f: {  	s9 =	smul.u32 $0xF7A, s1;
	s8 =	simm.s32 @!p0 $0x1BF5;
	p2 =	por !p2, p0  }
0x20: {  	[sflag:s8] =	ssyncset.s32 @!p0 $0xFFFFF086;
	s6 =	sadd.s32 @!p0 s3, s7;
	s7 =	simm.s32 @!p0 $0x108  }
0x21: {  	s3 =	sadd.s32 s3, s9;
	s6 =	sadd.s32 @!p0 $0x88, s6;
	s7 =	simm.s32 @p2 $0x1082  }
0x22: {  	[simem:s7], [sflag:s8] =	dma.local @!p0 [hbm:s6], $0xF7A  }
0x23: {  	s9 =	sor.u32 $0xD0000000, s2;
	s6 =	simm.s32 $0x108;
	_ =	swait.ge @!p0 [sflag:s8], $0x0  }
0x24: {  	s3 =	sadd.s32 $0x88, s3;
	s6 =	simm.s32 @!p1 $0x1082;
	[sflag:s4] =	ssyncset.s32 $0xFFFFF086  }
0x25: {  	[simem:s6], [sflag:s4] =	dma.local [hbm:s3], $0xF7A  }
0x26: {  	[smem:$0x3F94] =	sst s1;
	(tag) =	ssettag s2;
	_ =	strace s9  }
0x27: {  	s1 =	sld [smem:$0x3FA4]  }
0x28: {  	s2 =	sld [smem:$0x3FA5]  }
0x29: {  	s4 =	sld [smem:$0x3FA7]  }
0x2a: {  	p0 =	seq.s32 s5, $0x0;
	s5 =	sld [smem:$0x3FA8]  }
0x2b: {  	s6 =	sld [smem:$0x3FA9]  }
0x2c: {  	s7 =	sld [smem:$0x3FAA]  }
0x2d: {  	s3 =	simm.s32 $0x108;
	s8 =	sld [smem:$0x3FAB]  }
0x2e: {  	s3 =	simm.s32 @!p0 $0x1082;
	s9 =	sld [smem:$0x3FAC]  }
0x2f: {  	lr =	sadd.s32 s0, s3;
	s0 =	sld [smem:$0x3FA3]  }
0x30: {  	s3 =	sld [smem:$0x3FA6]  }
0x31: {  	[smem:$0x3FAF] =	sst s10  }
0x32: {  	s10 =	sld [smem:$0x3FAD];
	_ =	sdelay $0x3  }
0x33: {  	p0 =	seq.s32 s10, $0x1;
	s10 =	sld [smem:$0x3FAF];
	_ =	sdelay $0x3  }
0x34: {  	[smem:$0x3FAF] =	sst s10  }
0x35: {  	s10 =	sld [smem:$0x3FAE];
	_ =	sdelay $0x3  }
0x36: {  	p1 =	seq.s32 s10, $0x1;
	s10 =	sld [smem:$0x3FAF];
	_ =	sdelay $0x3  }
0x37: {  	[smem:$0x3FAF] =	sst s10  }
0x38: {  	s10 =	sld [smem:$0x3FB0]  }
0x39: {  	_ = 	snop;
	(pc) =	sbr.ind lr, $3  }
0x3a: {  	_ = 	snop  }
0x3b: {  	_ = 	snop  }
0x3c: {  	p2 =	seq.s32 s10, $0x1;
	s10 =	sld [smem:$0x3FAF]  }
0x3d: {  	_ =	shalt  }
0x3e: {  	_ =	shalt  }
0x3f: {  	_ =	shalt  }
0x40: {  	_ =	shalt  }
0x41: {  	_ =	shalt  }
0x42: {  	_ =	shalt  }
0x43: {  	_ =	shalt  }
0x44: {  	_ =	shalt  }
0x45: {  	_ =	shalt  }
0x46: {  	_ =	shalt  }
0x47: {  	_ =	shalt  }
0x48: {  	_ =	shalt  }
0x49: {  	_ =	shalt  }
0x4a: {  	_ =	shalt  }
0x4b: {  	_ =	shalt  }
0x4c: {  	_ =	shalt  }
0x4d: {  	_ =	shalt  }
0x4e: {  	_ =	shalt  }
0x4f: {  	_ =	shalt  }
0x50: {  	_ =	shalt  }
0x51: {  	_ =	shalt  }
0x52: {  	_ =	shalt  }
0x53: {  	_ =	shalt  }
0x54: {  	_ =	shalt  }
0x55: {  	_ =	shalt  }
0x56: {  	_ =	shalt  }
0x57: {  	_ =	shalt  }
0x58: {  	_ =	shalt  }
0x59: {  	_ =	shalt  }
0x5a: {  	_ =	shalt  }
0x5b: {  	_ =	shalt  }
0x5c: {  	_ =	shalt  }
0x5d: {  	_ =	shalt  }
0x5e: {  	_ =	shalt  }
0x5f: {  	_ =	shalt  }
0x60: {  	_ =	shalt  }
0x61: {  	_ =	shalt  }
0x62: {  	_ =	shalt  }
0x63: {  	_ =	shalt  }
0x64: {  	_ =	shalt  }
0x65: {  	_ =	shalt  }
0x66: {  	_ =	shalt  }
0x67: {  	_ =	shalt  }
0x68: {  	_ =	shalt  }
0x69: {  	_ =	shalt  }
0x6a: {  	_ =	shalt  }
0x6b: {  	_ =	shalt  }
0x6c: {  	_ =	shalt  }
0x6d: {  	_ =	shalt  }
0x6e: {  	_ =	shalt  }
0x6f: {  	_ =	shalt  }
0x70: {  	_ =	shalt  }
0x71: {  	_ =	shalt  }
0x72: {  	_ =	shalt  }
0x73: {  	_ =	shalt  }
0x74: {  	_ =	shalt  }
0x75: {  	_ =	shalt  }
0x76: {  	_ =	shalt  }
0x77: {  	_ =	shalt  }
0x78: {  	_ =	shalt  }
0x79: {  	_ =	shalt  }
0x7a: {  	_ =	shalt  }
0x7b: {  	_ =	shalt  }
0x7c: {  	_ =	shalt  }
0x7d: {  	_ =	shalt  }
0x7e: {  	_ =	shalt  }
0x7f: {  	_ =	shalt  }
0x80: {  	_ =	shalt  }
0x81: {  	_ =	shalt  }
0x82: {  	_ =	shalt  }
0x83: {  	_ =	shalt  }
0x84: {  	_ =	shalt  }
0x85: {  	_ =	shalt  }
0x86: {  	_ =	shalt  }
0x87: {  	_ =	shalt  }
.Lfunc_end0:
.L_simem_size_0:
called_computation_lowered:
.L_overlay_start_0:
0x88: {  	s2 =	sld [smem:$0x3FD9]  }
0x89: {  	s3 =	sld [smem:$0x3FFE];
	_ =	sdelay $0x1  }
0x8a: {  	s1 =	srdreg.scid  }
0x8b: {  	s0 =	sand.u32 $0x1, s1  }
0x8c: {  	s17 =	sshll.u32 s0, $0xA;
	s2 =	sadd.s32 s3, s2  }
0x8d: {  	s2 =	sadd.s32 s2, s17  }
0x8e: {  	[smem:$0x3FBB] =	sst s2  }
0x8f: {  	_ = 	snop  }
0x90: {  	s2 =	sld [smem:$0x3FC9]  }
0x91: {  	s18 =	sld [smem:$0x3FD0];
	(tm) =	ssettm $0x1  }
0x92: {  	s4 =	sld [smem:$0x3FFB];
	_ =	sdelay $0x3  }
0x93: {  	_ =	strace s4  }
0x94: {  	s4 =	sld [smem:$0x3FFC];
	_ =	sdelay $0x3  }
0x95: {  	_ =	strace s4  }
0x96: {  	s4 =	sld [smem:$0x3FFD];
	_ =	sdelay $0x3  }
0x97: {  	_ =	strace s4  }
0x98: {  	_ =	strace $0x8FFFFFFF  }
0x99: {  	s19 =	sld [smem:$0x3FDB];
	_ =	sdelay $0x1  }
0x9a: {  	s5 =	simm.s32 $_scs_section_size  }
0x9b: {  	s6 =	simm.s32 $_size__tile_overlayer_lowered;
	s7 =	simm.s32 $_tile_overlayer_lowered  }
0x9c: {  	s22 =	simm.s32 $0x1BFF;
	s21 =	sshll.u32 s7, $0x1;
	s4 =	sadd.s32 s5, s19  }
0x9d: {  	s8 =	simm.s32 $0x0;
	s20 =	sshll.u32 s6, $0x1;
	s6 =	sadd.s32 s21, s4  }
0x9e: {  	[timem:s8], [sflag:s22] =	dma.local [hbm:s6], s20  }
0x9f: {  	_ =	swait.ge [sflag:s22], s20  }
0xa0: {  	s5 =	ssub.s32 $0x0, s20;
	[sflag:s22] =	ssyncset.done $0x0  }
0xa1: {  	[sflag:s22] =	ssyncadd.s32 s5;
	_ =	sdelay $0x1  }
0xa2: {  	s23 =	simm.s32 $0x1B8B  }
0xa3: {  	_ =	swait.ge [sflag:s23], $0x1  }
0xa4: {  	[sflag:s23] =	ssyncset.done $0x0  }
0xa5: {  	s25 =	simm.s32 $0x1B8E;
	s24 =	sld [smem:$0x3FFE];
	[sflag:s23] =	ssyncadd.s32 $0xFFFFFFFF  }
0xa6: {  	s26 =	simm.s32 $execute0_lowered;
	[smem:$0x3FD2] =	sst s25  }
0xa7: {  	s6 =	sshll.u32 s26, $0x1;
	_ =	strace $0x80000046;
	[dreg:$0x1] =	wrdreg $0xFFFFFFFF  }
0xa8: {  	s28 =	simm.s32 $_size_execute0_lowered;
	s4 =	sadd.s32 s4, s6;
	[dreg:$0x0] =	wrdreg $0x0  }
0xa9: {  	s6 =	sshll.u32 s28, $0x1;
	[dreg:$0x2] =	wrdreg s4  }
0xaa: {  	[dreg:$0x3] =	wrdreg s6  }
0xab: {  	[dreg:$0x4] =	wrdreg $0xC0  }
0xac: {  	_ =	task [dreg:s8], $0x5FFFF  }
0xad: {  	[dreg:$0x1] =	wrdreg $0xFFFFFFFF  }
0xae: {  	[dreg:$0x0] =	wrdreg $0x60  }
0xaf: {  	[dreg:$0x2] =	wrdreg s24  }
0xb0: {  	[dreg:$0x3] =	wrdreg s2  }
0xb1: {  	[dreg:$0x4] =	wrdreg s18  }
0xb2: {  	[dreg:$0x5] =	wrdreg $0x9  }
0xb3: {  	_ =	task.clear_ibuf [dreg:s8], $0x6FFFF;
	_ =	strace $0x90000046  }
0xb4: {  	s29 =	simm.s32 $0x9;
	_ =	strace $0x80000048  }
0xb5: {  	_ =	swait.ge [sflag:s29], $0x1  }
0xb6: {  	[sflag:s29] =	ssyncadd.s32 $0xFFFFFFFF  }
0xb7: {  	_ =	strace $0x90000048  }
0xb8: {  	_ =	sfence  }
0xb9: {  	s30 =	sld [smem:$0x0];
	_ =	sdelay $0x2  }
0xba: {  	s31 =	sshll.u32 s1, $0xD;
	s1 =	sshrl.u32 s1, $0x2  }
0xbb: {  	s3 =	sand.u32 $0x4000, s31;
	s1 =	sadd.s32 s1, s30  }
0xbc: {  	s0 =	sor.u32 s3, s0;
	s1 =	sshll.u32 s1, $0x11  }
0xbd: {  	s0 =	sor.u32 s1, s0  }
0xbe: {  	s0 =	sadd.s32 $0x8F2B, s0  }
0xbf: {  	[sflag:s0] =	ssyncadd.remote.s32 $0x1  }
0xc0: {  	_ =	sfence.sel $0xFFFF  }
0xc1: {  	[dreg:$0x0] =	wrdreg $0xFFFFFFFF;
	(pc) =	sbr.abs _section_cstart, $3  }
0xc2: {  	[dreg:$0x1] =	wrdreg $0xFFFFFFFF  }
0xc3: {  	_ =	task.clear_ibuf [dreg:s8], $0x2FFFF;
	_ =	strace $0x9FFFFFFF  }
0xc4: {  	(tm) =	ssettm $0x7FFFFFFF  }
0xc5: {  	_ =	shalt  }
tec
execute0_lowered:
.L_overlay_start_1:
0x0: {  	(tag) =	ssettag $0x1  }
0x1: {  	s3 =	rddreg [dreg:$0x0]  }
0x2: {  	s4 =	rddreg [dreg:$0x1]  }
0x3: {  	s5 =	rddreg [dreg:$0x2]  }
0x4: {  	s0 =	rddreg [dreg:$0x3];
	s2 =	simm.s32 $0x0;
	s6 =	srdreg.scid  }
0x5: {  	s1 =	stileid.u32;
	s10 =	simm.s32 $0x20000;
	s11 =	simm.s32 $0x4100  }
0x6: {  	s12 =	simm.s32 $0x0;
	[smem:$0x7FF] =	sst s2;
	s6 =	sand.u32 $0x1, s6  }
0x7: {  	s8 =	sshll.u32 s1, $0xA;
	s7 =	ssub.s32 $0x2, s6;
	s6 =	sshll.u32 s6, $0x9  }
0x8: {  	s3 =	sadd.s32 $0x1600, s3;
	s9 =	sshrl.u32 s7, $0x1;
	s6 =	sor.u32 s6, s8  }
0x9: {  	_ =	strace $0x80000047;
	s7 =	ssub.s32 s7, s9;
	s8 =	sshrl.u32 s6, $0x3  }
0xa: {  	s5 =	sadd.s32 s5, s6;
	s9 =	simm.s32 $0x1000;
	s4 =	sadd.s32 s4, s8  }
0xb: {  	s6 =	smax.u32 s7, $0x1;
	s7 =	simm.s32 $0x1;
	s8 =	simm.s32 $0x200  }
.LBB2_1:
0xc: {  	[tilespmem:s2], [sflag:$0x1] =	stream.linear.gather [hbm4b:s4+s2], $0x200, $0x38;
	[tilespmem:$0x6100] =	vst v63  }
0xd: {  	_ =	swait.ge [sflag:s7], $0x200  }
0xe: {  	[sflag:s7] =	ssyncset.done $0x0  }
0xf: {  	[sflag:s7] =	ssyncadd.s32 $0xFFFFFE00  }
0x10: {  	[tilespmem:s8], [sflag:$0x1] =	stream.linear.gather [hbm4b:s3+s2], $0x3F00, $0x38;
	[tilespmem:$0x6100] =	vst v63  }
0x11: {  	_ =	swait.ge [sflag:s7], $0x3F00  }
0x12: {  	[sflag:s7] =	ssyncset.done $0x0  }
0x13: {  	[sflag:s7] =	ssyncadd.s32 $0xFFFFC100  }
0x14: {  	v0 =	vld [tilespmem:s2+$0x0];
	_ =	sdelay $0x4  }
0x15: {  	v0 =	vshll.u32 v0, $0x4;
	_ =	sdelay $0x4  }
0x16: {  	v1 =	vld.idx.msk [tilespmem:v0+s8+$0x0], $0xffff  }
0x17: {  	v2 =	vor.u32 $0x1, v0;
	_ =	sdelay $0x1  }
0x18: {  	s13 =	sand.u32 $0x70, s2;
	s14 =	sand.u32 $0xC00, s2  }
0x19: {  	s13 =	sor.u32 s13, s14  }
0x1a: {  	[tilespmem:s13+$0x4100] =	vst v1  }
0x1b: {  	v1 =	vld.idx.msk [tilespmem:v2+s8+$0x0], $0xffff  }
0x1c: {  	v2 =	vor.u32 $0x2, v0;
	_ =	sdelay $0x3  }
0x1d: {  	[tilespmem:s13+$0x4180] =	vst v1  }
0x1e: {  	v1 =	vld.idx.msk [tilespmem:v2+s8+$0x0], $0xffff  }
0x1f: {  	v2 =	vor.u32 $0x3, v0;
	_ =	sdelay $0x3  }
0x20: {  	[tilespmem:s13+$0x4200] =	vst v1  }
0x21: {  	v1 =	vld.idx.msk [tilespmem:v2+s8+$0x0], $0xffff  }
0x22: {  	v2 =	vor.u32 $0x4, v0;
	_ =	sdelay $0x3  }
0x23: {  	[tilespmem:s13+$0x4280] =	vst v1  }
0x24: {  	v1 =	vld.idx.msk [tilespmem:v2+s8+$0x0], $0xffff  }
0x25: {  	v2 =	vor.u32 $0x5, v0;
	_ =	sdelay $0x3  }
0x26: {  	[tilespmem:s13+$0x4300] =	vst v1  }
0x27: {  	v1 =	vld.idx.msk [tilespmem:v2+s8+$0x0], $0xffff  }
0x28: {  	v2 =	vor.u32 $0x6, v0;
	_ =	sdelay $0x3  }
0x29: {  	[tilespmem:s13+$0x4380] =	vst v1  }
0x2a: {  	v1 =	vld.idx.msk [tilespmem:v2+s8+$0x0], $0xffff  }
0x2b: {  	v2 =	vor.u32 $0x7, v0;
	_ =	sdelay $0x3  }
0x2c: {  	[tilespmem:s13+$0x4400] =	vst v1  }
0x2d: {  	v1 =	vld.idx.msk [tilespmem:v2+s8+$0x0], $0xffff  }
0x2e: {  	v2 =	vor.u32 $0x8, v0;
	_ =	sdelay $0x1  }
0x2f: {  	s31 =	sor.u32 s2, s2  }
0x30: {  	s14 =	sor.u32 $0x380, s31  }
0x31: {  	[tilespmem:s14+$0x4100] =	vst v1  }
0x32: {  	v1 =	vld.idx.msk [tilespmem:v2+s8+$0x0], $0xffff  }
0x33: {  	v2 =	vor.u32 $0x9, v0;
	_ =	sdelay $0x3  }
0x34: {  	[tilespmem:s13+$0x5100] =	vst v1  }
0x35: {  	v1 =	vld.idx.msk [tilespmem:v2+s8+$0x0], $0xffff  }
0x36: {  	v2 =	vor.u32 $0xA, v0;
	_ =	sdelay $0x3  }
0x37: {  	[tilespmem:s13+$0x5180] =	vst v1  }
0x38: {  	v1 =	vld.idx.msk [tilespmem:v2+s8+$0x0], $0xffff  }
0x39: {  	v2 =	vor.u32 $0xB, v0;
	_ =	sdelay $0x3  }
0x3a: {  	[tilespmem:s13+$0x5200] =	vst v1  }
0x3b: {  	v1 =	vld.idx.msk [tilespmem:v2+s8+$0x0], $0xffff  }
0x3c: {  	v2 =	vor.u32 $0xC, v0;
	_ =	sdelay $0x3  }
0x3d: {  	[tilespmem:s13+$0x5280] =	vst v1  }
0x3e: {  	v1 =	vld.idx.msk [tilespmem:v2+s8+$0x0], $0xffff  }
0x3f: {  	v2 =	vor.u32 $0xD, v0;
	_ =	sdelay $0x3  }
0x40: {  	[tilespmem:s13+$0x5300] =	vst v1  }
0x41: {  	v1 =	vld.idx.msk [tilespmem:v2+s8+$0x0], $0xffff  }
0x42: {  	v2 =	vor.u32 $0xE, v0;
	_ =	sdelay $0x3  }
0x43: {  	[tilespmem:s13+$0x5380] =	vst v1  }
0x44: {  	v1 =	vld.idx.msk [tilespmem:v2+s8+$0x0], $0xffff  }
0x45: {  	v0 =	vor.u32 $0xF, v0;
	_ =	sdelay $0x3  }
0x46: {  	[tilespmem:s13+$0x5400] =	vst v1  }
0x47: {  	s15 =	simm.s32 $0x0;
	s16 =	simm.s32 $0x0;
	s14 =	simm.s32 $0x10;
	v0 =	vld.idx.msk [tilespmem:v0+s8+$0x0], $0xffff  }
.LBB2_2:
0x48: {  	_ =	sdelay $0x3  }
0x49: {  	p0 =	sne.s32 s14, $0x1F0;
	s15 =	sadd.s32 $0x80, s15;
	s16 =	sadd.s32 $0x10, s16;
	[tilespmem:s13+$0x5480] =	vst v0  }
0x4a: {  	s17 =	smov.u32 s14;
	s14 =	sadd.s32 $0x10, s14;
	v0 =	vld [tilespmem:s16+$0x0];
	_ =	sdelay $0x4  }
0x4b: {  	v0 =	vshll.u32 v0, $0x4;
	_ =	sdelay $0x4  }
0x4c: {  	v1 =	vld.idx.msk [tilespmem:v0+s8+$0x0], $0xffff;
	_ =	sdelay $0x1  }
0x4d: {  	v2 =	vor.u32 $0x1, v0;
	_ =	sdelay $0x1  }
0x4e: {  	s18 =	sand.u32 $0xC00, s15;
	s13 =	sand.u32 $0x70, s17  }
0x4f: {  	s13 =	sor.u32 s13, s18  }
0x50: {  	[tilespmem:s13+$0x4100] =	vst v1  }
0x51: {  	v1 =	vld.idx.msk [tilespmem:v2+s8+$0x0], $0xffff;
	_ =	sdelay $0x1  }
0x52: {  	v2 =	vor.u32 $0x2, v0;
	_ =	sdelay $0x3  }
0x53: {  	[tilespmem:s13+$0x4180] =	vst v1  }
0x54: {  	v1 =	vld.idx.msk [tilespmem:v2+s8+$0x0], $0xffff;
	_ =	sdelay $0x1  }
0x55: {  	v2 =	vor.u32 $0x3, v0;
	_ =	sdelay $0x3  }
0x56: {  	[tilespmem:s13+$0x4200] =	vst v1  }
0x57: {  	v1 =	vld.idx.msk [tilespmem:v2+s8+$0x0], $0xffff;
	_ =	sdelay $0x1  }
0x58: {  	v2 =	vor.u32 $0x4, v0;
	_ =	sdelay $0x3  }
0x59: {  	[tilespmem:s13+$0x4280] =	vst v1  }
0x5a: {  	v1 =	vld.idx.msk [tilespmem:v2+s8+$0x0], $0xffff;
	_ =	sdelay $0x1  }
0x5b: {  	v2 =	vor.u32 $0x5, v0;
	_ =	sdelay $0x3  }
0x5c: {  	[tilespmem:s13+$0x4300] =	vst v1  }
0x5d: {  	v1 =	vld.idx.msk [tilespmem:v2+s8+$0x0], $0xffff;
	_ =	sdelay $0x1  }
0x5e: {  	v2 =	vor.u32 $0x6, v0;
	_ =	sdelay $0x3  }
0x5f: {  	[tilespmem:s13+$0x4380] =	vst v1  }
0x60: {  	v1 =	vld.idx.msk [tilespmem:v2+s8+$0x0], $0xffff;
	_ =	sdelay $0x1  }
0x61: {  	v2 =	vor.u32 $0x7, v0;
	_ =	sdelay $0x3  }
0x62: {  	[tilespmem:s13+$0x4400] =	vst v1  }
0x63: {  	v1 =	vld.idx.msk [tilespmem:v2+s8+$0x0], $0xffff;
	_ =	sdelay $0x1  }
0x64: {  	v2 =	vor.u32 $0x8, v0;
	_ =	sdelay $0x1  }
0x65: {  	s17 =	sor.u32 s15, s17  }
0x66: {  	s17 =	sor.u32 $0x380, s17  }
0x67: {  	[tilespmem:s17+$0x4100] =	vst v1  }
0x68: {  	v1 =	vld.idx.msk [tilespmem:v2+s8+$0x0], $0xffff;
	_ =	sdelay $0x1  }
0x69: {  	v2 =	vor.u32 $0x9, v0;
	_ =	sdelay $0x3  }
0x6a: {  	[tilespmem:s13+$0x5100] =	vst v1  }
0x6b: {  	v1 =	vld.idx.msk [tilespmem:v2+s8+$0x0], $0xffff;
	_ =	sdelay $0x1  }
0x6c: {  	v2 =	vor.u32 $0xA, v0;
	_ =	sdelay $0x3  }
0x6d: {  	[tilespmem:s13+$0x5180] =	vst v1  }
0x6e: {  	v1 =	vld.idx.msk [tilespmem:v2+s8+$0x0], $0xffff;
	_ =	sdelay $0x1  }
0x6f: {  	v2 =	vor.u32 $0xB, v0;
	_ =	sdelay $0x3  }
0x70: {  	[tilespmem:s13+$0x5200] =	vst v1  }
0x71: {  	v1 =	vld.idx.msk [tilespmem:v2+s8+$0x0], $0xffff;
	_ =	sdelay $0x1  }
0x72: {  	v2 =	vor.u32 $0xC, v0;
	_ =	sdelay $0x3  }
0x73: {  	[tilespmem:s13+$0x5280] =	vst v1  }
0x74: {  	v1 =	vld.idx.msk [tilespmem:v2+s8+$0x0], $0xffff;
	_ =	sdelay $0x1  }
0x75: {  	v2 =	vor.u32 $0xD, v0;
	_ =	sdelay $0x3  }
0x76: {  	[tilespmem:s13+$0x5300] =	vst v1  }
0x77: {  	v1 =	vld.idx.msk [tilespmem:v2+s8+$0x0], $0xffff;
	_ =	sdelay $0x1  }
0x78: {  	v2 =	vor.u32 $0xE, v0;
	_ =	sdelay $0x3  }
0x79: {  	[tilespmem:s13+$0x5380] =	vst v1  }
0x7a: {  	v1 =	vld.idx.msk [tilespmem:v2+s8+$0x0], $0xffff;
	_ =	sdelay $0x1  }
0x7b: {  	v0 =	vor.u32 $0xF, v0  }
.Ltmp0:
0x7c: {  	(pc) =	sbr.rel @p0 .LBB2_2-.Ltmp0, $3  }
0x7d: {  	_ =	sdelay $0x1  }
0x7e: {  	[tilespmem:s13+$0x5400] =	vst v1  }
0x7f: {  	v0 =	vld.idx.msk [tilespmem:v0+s8+$0x0], $0xffff  }
0x80: {  	_ =	sdelay $0x1  }
0x81: {  	s12 =	sadd.s32 $0x1, s12  }
0x82: {  	p0 =	sne.s32 s12, s6  }
.Ltmp1:
0x83: {  	[tilespmem:s13+$0x5480] =	vst v0;
	(pc) =	sbr.rel @p0 .LBB2_1-.Ltmp1, $4  }
0x84: {  	[hbm4b:s5+s9] =	stream.strided.scatter [tilespmem:s11], [sflag:$0x1], $0x2000, s10, s9, $0x38;
	[tilespmem:$0x6100] =	vst v63  }
0x85: {  	_ =	swait.ge [sflag:s7], $0x2000  }
0x86: {  	[sflag:s7] =	ssyncset.done $0x0  }
0x87: {  	[sflag:s7] =	ssyncadd.s32 $0xFFFFE000  }
0x88: {  	_ =	sfence.sel $0x180000  }
0x89: {  	[bflag:$0x0] =	sbarrier.arrive $0xFFFF  }
0x8a: {  	p0 =	sne.s32 s1, $0x0;
	_ =	strace $0x90000047  }
0x8b: {  	s0 =	sadd.s32 @!p0 $0x100000, s0;
	[bflag:$0x2] =	sbarrier.arrive $0xFFFF  }
0x8c: {  	[sflag:s0] =	ssyncadd.tile.s32 @!p0 $0x1;
	_ =	shalt  }
.Lfunc_end2:
_tile_overlayer_lowered:
.L_overlay_start_2:
0x8d: {  	(tag) =	ssettag $0x2  }
0x8e: {  	s0 =	rddreg [dreg:$0x0];
	s2 =	stileid.u32  }
0x8f: {  	s1 =	rddreg [dreg:$0x1];
	p0 =	sne.s32 s2, $0x0  }
0x90: {  	s3 =	rddreg [dreg:$0x2];
	[bflag:$0x3] =	sbarrier.arrive $0xFFFF;
	s2 =	simm.s32 @!p0 $0x1C01  }
0x91: {  	[timem:s3], [sflag:s2] =	dma.local @!p0 [hbm:s0], s1  }
0x92: {  	s0 =	simm.s32 @!p0 $0x1  }
0x93: {  	_ =	swait.ge @!p0 [sflag:s0], s1  }
0x94: {  	s1 =	ssub.s32 @!p0 $0x0, s1;
	[sflag:s0] =	ssyncset.done @!p0 $0x0  }
0x95: {  	[sflag:s0] =	ssyncadd.s32 @!p0 s1  }
0x96: {  	[bflag:$0x3] =	sbarrier.arrive $0xFFFF  }
0x97: {  	_ =	shalt  }

</sc_bundles>
